<compile_context>
chip_gen: v7x
topology: tpu7x:2x2x1
jax: 0.10.2.dev20260603
libtpu: 0.0.44.dev20260713+nightly
codegen_flags: <defaults>
</compile_context>

<pallas_src>
import functools

import jax
import jax.numpy as jnp
from jax import lax
from jax.experimental import pallas as pl
from jax.experimental.pallas import tpu as pltpu
from jax.experimental.pallas import tpu_sc as plsc

SIZES = (16, 48, 64, 64, 64, 64, 96, 96)
N_HBM = 2


def kernel(lang, emb_weight):
    batch = lang.shape[0]
    vocab, emd = emb_weight.shape
    idx = lang.reshape(batch).astype(jnp.int32)

    info = plsc.get_sparse_core_info()
    nc, ns = info.num_cores, info.num_subcores
    nw = nc * ns
    b_per_w = batch // nw
    assert sum(SIZES) == b_per_w
    ch = len(SIZES)
    offs = [sum(SIZES[:j]) for j in range(ch)]

    rows_even = -(-vocab // ns // 8) * 8
    rows_last = vocab - rows_even * (ns - 1)
    assert rows_last > 0 and rows_last % 8 == 0

    mesh = plsc.VectorSubcoreMesh(core_axis_name="c", subcore_axis_name="s")

    @functools.partial(
        pl.kernel,
        mesh=mesh,
        out_type=jax.ShapeDtypeStruct((batch, emd), jnp.float32),
        scratch_types=(
            [pltpu.VMEM_SHARED((vocab, emd), jnp.float32),
             pltpu.VMEM((b_per_w,), jnp.int32)]
            + [pltpu.VMEM((s, emd), jnp.float32) for s in SIZES]
            + [pltpu.SemaphoreType.DMA for _ in range(2 * ch + 3)]
        ),
    )
    def k(table_hbm, idx_hbm, out_hbm, table_sh, idx_v, *rest):
        bufs = rest[:ch]
        gsems = rest[ch:2 * ch]
        wsems = rest[2 * ch:3 * ch]
        i0sem, i1sem, tsem = rest[3 * ch:3 * ch + 3]
        sid = lax.axis_index("s")
        wid = sid * nc + lax.axis_index("c")
        base = wid * b_per_w

        lead = offs[N_HBM]
        iop0 = pltpu.async_copy(idx_hbm.at[pl.ds(base, lead)],
                                idx_v.at[pl.ds(0, lead)], i0sem)
        iop1 = pltpu.async_copy(idx_hbm.at[pl.ds(base + lead, b_per_w - lead)],
                                idx_v.at[pl.ds(lead, b_per_w - lead)], i1sem)

        trow = sid * rows_even

        @pl.when(sid < ns - 1)
        def _():
            pltpu.async_copy(table_hbm.at[pl.ds(trow, rows_even)],
                             table_sh.at[pl.ds(trow, rows_even)], tsem).wait()

        @pl.when(sid == ns - 1)
        def _():
            pltpu.async_copy(table_hbm.at[pl.ds(trow, rows_last)],
                             table_sh.at[pl.ds(trow, rows_last)], tsem).wait()

        iop0.wait()
        gops = [
            pltpu.async_copy(table_hbm.at[idx_v.at[pl.ds(offs[j], SIZES[j])]],
                             bufs[j], gsems[j])
            for j in range(N_HBM)
        ]

        plsc.subcore_barrier()
        iop1.wait()
        gops += [
            pltpu.async_copy(table_sh.at[idx_v.at[pl.ds(offs[j], SIZES[j])]],
                             bufs[j], gsems[j])
            for j in range(N_HBM, ch)
        ]
        wops = []
        for j in range(ch):
            gops[j].wait()
            wops.append(
                pltpu.async_copy(bufs[j],
                                 out_hbm.at[pl.ds(base + offs[j], SIZES[j])],
                                 wsems[j]))
        for op in wops:
            op.wait()

    out = k(emb_weight, idx)
    return out.reshape(batch, 1, emd)

# --- scband reference (transcript-rebuilt; emitter-appended) ---
"""Pipeline reference for scband-mini-lang-embedding-32796370272531 (READ-ONLY COPY).

The authoritative reference and input builder live on the scoring server;
editing this copy changes nothing except your own understanding.
"""

import jax, jax.numpy as jnp
import numpy as np

EMD_SIZE = 128
INPUT_CHANNEL = 1000
BATCH = 16384

def setup_inputs(seed: int = 0) -> dict:
    key = jax.random.key(seed)
    k1, k2 = jax.random.split(key)
    lang = jax.random.randint(k1, (BATCH, 1), 0, INPUT_CHANNEL, dtype=jnp.int64 if jax.config.jax_enable_x64 else jnp.int32)
    # nn.Embedding weight init: N(0, 1)
    emb_weight = jax.random.normal(k2, (INPUT_CHANNEL, EMD_SIZE), dtype=jnp.float32)
    return {"lang": lang, "emb_weight": emb_weight}

def reference(lang, emb_weight):
    # x = self.emd_layer(lang): embedding lookup -> [batch, 1, emd_size]
    x = jnp.take(emb_weight, lang, axis=0)
    return x

if __name__ == "__main__":
    import jax
    _d = setup_inputs()
    print(jax.jit(kernel)(*tuple(_d.values())))

</pallas_src>

<mosaic_0001>
#map = affine_map<(d0, d1) -> (0, 0)>
#map1 = affine_map<(d0, d1) -> (0)>
module attributes {stable_mosaic.version = 14 : i64} {
  func.func @k(%arg0: i32, %arg1: i32, %arg2: memref<1000x128xf32, #tpu.memory_space<hbm>>, %arg3: memref<16384xi32, #tpu.memory_space<hbm>>, %arg4: memref<16384x128xf32, #tpu.memory_space<hbm>>, %arg5: memref<1000x128xf32, #tpu.memory_space<vmem_shared>>, %arg6: memref<512xi32, #tpu.memory_space<vmem>>, %arg7: memref<16x128xf32, #tpu.memory_space<vmem>>, %arg8: memref<48x128xf32, #tpu.memory_space<vmem>>, %arg9: memref<64x128xf32, #tpu.memory_space<vmem>>, %arg10: memref<64x128xf32, #tpu.memory_space<vmem>>, %arg11: memref<64x128xf32, #tpu.memory_space<vmem>>, %arg12: memref<64x128xf32, #tpu.memory_space<vmem>>, %arg13: memref<96x128xf32, #tpu.memory_space<vmem>>, %arg14: memref<96x128xf32, #tpu.memory_space<vmem>>, %arg15: memref<!tpu.dma_semaphore, #tpu.memory_space<semaphore_mem>>, %arg16: memref<!tpu.dma_semaphore, #tpu.memory_space<semaphore_mem>>, %arg17: memref<!tpu.dma_semaphore, #tpu.memory_space<semaphore_mem>>, %arg18: memref<!tpu.dma_semaphore, #tpu.memory_space<semaphore_mem>>, %arg19: memref<!tpu.dma_semaphore, #tpu.memory_space<semaphore_mem>>, %arg20: memref<!tpu.dma_semaphore, #tpu.memory_space<semaphore_mem>>, %arg21: memref<!tpu.dma_semaphore, #tpu.memory_space<semaphore_mem>>, %arg22: memref<!tpu.dma_semaphore, #tpu.memory_space<semaphore_mem>>, %arg23: memref<!tpu.dma_semaphore, #tpu.memory_space<semaphore_mem>>, %arg24: memref<!tpu.dma_semaphore, #tpu.memory_space<semaphore_mem>>, %arg25: memref<!tpu.dma_semaphore, #tpu.memory_space<semaphore_mem>>, %arg26: memref<!tpu.dma_semaphore, #tpu.memory_space<semaphore_mem>>, %arg27: memref<!tpu.dma_semaphore, #tpu.memory_space<semaphore_mem>>, %arg28: memref<!tpu.dma_semaphore, #tpu.memory_space<semaphore_mem>>, %arg29: memref<!tpu.dma_semaphore, #tpu.memory_space<semaphore_mem>>, %arg30: memref<!tpu.dma_semaphore, #tpu.memory_space<semaphore_mem>>, %arg31: memref<!tpu.dma_semaphore, #tpu.memory_space<semaphore_mem>>, %arg32: memref<!tpu.dma_semaphore, #tpu.memory_space<semaphore_mem>>, %arg33: memref<!tpu.dma_semaphore, #tpu.memory_space<semaphore_mem>>) attributes {dimension_semantics = [#tpu.dimension_semantics<core_parallel>, #tpu.dimension_semantics<subcore_parallel>], iteration_bounds = array<i64: 2, 16>, scalar_prefetch = 0 : i64, scratch_operands = 29 : i64, tpu.core_type = #tpu.core_type<sc_vector_subcore>, window_params = [{transform_indices = #map}, {transform_indices = #map1}, {transform_indices = #map}]} {
    %mul3A = arith.constant 2 : i32
    %mul3A_0 = arith.muli %arg1, %mul3A : i32
    %add3A = arith.addi %mul3A_0, %arg0 : i32
    %mul3A_1 = arith.constant 512 : i32
    %mul3A_2 = arith.muli %add3A, %mul3A_1 : i32
    %dma_start3A = arith.constant 0 : i32
    %dma_start3A_3 = tpu.memref_slice %arg6[%dma_start3A] : memref<512xi32, #tpu.memory_space<vmem>> -> memref<64xi32, #tpu.memory_space<vmem>>
    %dma_start3A_4 = tpu.memref_slice %arg3[%mul3A_2] : memref<16384xi32, #tpu.memory_space<hbm>> -> memref<64xi32, #tpu.memory_space<hbm>>
    %dma_start3A_5 = arith.constant 0 : i32
    %dma_start3A_6 = tpu.memref_slice %arg6[%dma_start3A_5] : memref<512xi32, #tpu.memory_space<vmem>> -> memref<64xi32, #tpu.memory_space<vmem>>
    %dma_start3A_7 = tpu.memref_slice %arg3[%mul3A_2] : memref<16384xi32, #tpu.memory_space<hbm>> -> memref<64xi32, #tpu.memory_space<hbm>>
    tpu.enqueue_dma source(%dma_start3A_7 : memref<64xi32, #tpu.memory_space<hbm>>) target(%dma_start3A_6 : memref<64xi32, #tpu.memory_space<vmem>>) target_semaphore(%arg31 : memref<!tpu.dma_semaphore, #tpu.memory_space<semaphore_mem>>)
    %add3A_8 = arith.constant 64 : i32
    %add3A_9 = arith.addi %mul3A_2, %add3A_8 : i32
    %dma_start3A_10 = arith.constant 64 : i32
    %dma_start3A_11 = tpu.memref_slice %arg6[%dma_start3A_10] : memref<512xi32, #tpu.memory_space<vmem>> -> memref<448xi32, #tpu.memory_space<vmem>>
    %dma_start3A_12 = tpu.memref_slice %arg3[%add3A_9] : memref<16384xi32, #tpu.memory_space<hbm>> -> memref<448xi32, #tpu.memory_space<hbm>>
    %dma_start3A_13 = arith.constant 64 : i32
    %dma_start3A_14 = tpu.memref_slice %arg6[%dma_start3A_13] : memref<512xi32, #tpu.memory_space<vmem>> -> memref<448xi32, #tpu.memory_space<vmem>>
    %dma_start3A_15 = tpu.memref_slice %arg3[%add3A_9] : memref<16384xi32, #tpu.memory_space<hbm>> -> memref<448xi32, #tpu.memory_space<hbm>>
    tpu.enqueue_dma source(%dma_start3A_15 : memref<448xi32, #tpu.memory_space<hbm>>) target(%dma_start3A_14 : memref<448xi32, #tpu.memory_space<vmem>>) target_semaphore(%arg32 : memref<!tpu.dma_semaphore, #tpu.memory_space<semaphore_mem>>)
    %mul3A_16 = arith.constant 64 : i32
    %mul3A_17 = arith.muli %arg1, %mul3A_16 : i32
    %lt3A = arith.constant 15 : i32
    %lt3A_18 = arith.cmpi slt, %arg1, %lt3A : i32
    %convert_element_type3A = arith.extui %lt3A_18 : i1 to i32
    %cond3A = arith.constant 0 : i32
    %cond3A_19 = arith.cmpi ne, %convert_element_type3A, %cond3A : i32
    scf.if %cond3A_19 {
      %dma_start3A_195 = arith.constant 0 : i32
      %dma_start3A_196 = tpu.memref_slice %arg5[%mul3A_17, %dma_start3A_195] : memref<1000x128xf32, #tpu.memory_space<vmem_shared>> -> memref<64x128xf32, #tpu.memory_space<vmem_shared>>
      %dma_start3A_197 = arith.constant 0 : i32
      %dma_start3A_198 = tpu.memref_slice %arg2[%mul3A_17, %dma_start3A_197] : memref<1000x128xf32, #tpu.memory_space<hbm>> -> memref<64x128xf32, #tpu.memory_space<hbm>>
      tpu.enqueue_dma source(%dma_start3A_198 : memref<64x128xf32, #tpu.memory_space<hbm>>) target(%dma_start3A_196 : memref<64x128xf32, #tpu.memory_space<vmem_shared>>) target_semaphore(%arg33 : memref<!tpu.dma_semaphore, #tpu.memory_space<semaphore_mem>>)
      %dma_wait3A_199 = arith.constant 0 : i32
      %dma_wait3A_200 = tpu.memref_slice %arg5[%mul3A_17, %dma_wait3A_199] : memref<1000x128xf32, #tpu.memory_space<vmem_shared>> -> memref<64x128xf32, #tpu.memory_space<vmem_shared>>
      %dma_wait3A_201 = arith.constant 0 : i32
      %dma_wait3A_202 = tpu.memref_slice %arg2[%mul3A_17, %dma_wait3A_201] : memref<1000x128xf32, #tpu.memory_space<hbm>> -> memref<64x128xf32, #tpu.memory_space<hbm>>
      tpu.wait_dma2 semaphore(%arg33 : memref<!tpu.dma_semaphore, #tpu.memory_space<semaphore_mem>>) src(%dma_wait3A_202 : memref<64x128xf32, #tpu.memory_space<hbm>>) dst(%dma_wait3A_200 : memref<64x128xf32, #tpu.memory_space<vmem_shared>>)
    } else {
    }
    %eq3A = arith.constant 15 : i32
    %eq3A_20 = arith.cmpi eq, %arg1, %eq3A : i32
    %convert_element_type3A_21 = arith.extui %eq3A_20 : i1 to i32
    %cond3A_22 = arith.constant 0 : i32
    %cond3A_23 = arith.cmpi ne, %convert_element_type3A_21, %cond3A_22 : i32
    scf.if %cond3A_23 {
      %dma_start3A_195 = arith.constant 0 : i32
      %dma_start3A_196 = tpu.memref_slice %arg5[%mul3A_17, %dma_start3A_195] : memref<1000x128xf32, #tpu.memory_space<vmem_shared>> -> memref<40x128xf32, #tpu.memory_space<vmem_shared>>
      %dma_start3A_197 = arith.constant 0 : i32
      %dma_start3A_198 = tpu.memref_slice %arg2[%mul3A_17, %dma_start3A_197] : memref<1000x128xf32, #tpu.memory_space<hbm>> -> memref<40x128xf32, #tpu.memory_space<hbm>>
      tpu.enqueue_dma source(%dma_start3A_198 : memref<40x128xf32, #tpu.memory_space<hbm>>) target(%dma_start3A_196 : memref<40x128xf32, #tpu.memory_space<vmem_shared>>) target_semaphore(%arg33 : memref<!tpu.dma_semaphore, #tpu.memory_space<semaphore_mem>>)
      %dma_wait3A_199 = arith.constant 0 : i32
      %dma_wait3A_200 = tpu.memref_slice %arg5[%mul3A_17, %dma_wait3A_199] : memref<1000x128xf32, #tpu.memory_space<vmem_shared>> -> memref<40x128xf32, #tpu.memory_space<vmem_shared>>
      %dma_wait3A_201 = arith.constant 0 : i32
      %dma_wait3A_202 = tpu.memref_slice %arg2[%mul3A_17, %dma_wait3A_201] : memref<1000x128xf32, #tpu.memory_space<hbm>> -> memref<40x128xf32, #tpu.memory_space<hbm>>
      tpu.wait_dma2 semaphore(%arg33 : memref<!tpu.dma_semaphore, #tpu.memory_space<semaphore_mem>>) src(%dma_wait3A_202 : memref<40x128xf32, #tpu.memory_space<hbm>>) dst(%dma_wait3A_200 : memref<40x128xf32, #tpu.memory_space<vmem_shared>>)
    } else {
    }
    %dma_wait3A = arith.constant 0 : i32
    %dma_wait3A_24 = tpu.memref_slice %arg6[%dma_wait3A] : memref<512xi32, #tpu.memory_space<vmem>> -> memref<64xi32, #tpu.memory_space<vmem>>
    %dma_wait3A_25 = tpu.memref_slice %arg3[%mul3A_2] : memref<16384xi32, #tpu.memory_space<hbm>> -> memref<64xi32, #tpu.memory_space<hbm>>
    %dma_wait3A_26 = arith.constant 0 : i32
    %dma_wait3A_27 = tpu.memref_slice %arg6[%dma_wait3A_26] : memref<512xi32, #tpu.memory_space<vmem>> -> memref<64xi32, #tpu.memory_space<vmem>>
    %dma_wait3A_28 = tpu.memref_slice %arg3[%mul3A_2] : memref<16384xi32, #tpu.memory_space<hbm>> -> memref<64xi32, #tpu.memory_space<hbm>>
    tpu.wait_dma2 semaphore(%arg31 : memref<!tpu.dma_semaphore, #tpu.memory_space<semaphore_mem>>) src(%dma_wait3A_28 : memref<64xi32, #tpu.memory_space<hbm>>) dst(%dma_wait3A_27 : memref<64xi32, #tpu.memory_space<vmem>>)
    %dma_start3A_29 = arith.constant 0 : i32
    %dma_start3A_30 = tpu.memref_slice %arg6[%dma_start3A_29] : memref<512xi32, #tpu.memory_space<vmem>> -> memref<16xi32, #tpu.memory_space<vmem>>
    %dma_start3A_31 = arith.constant 0 : i32
    %dma_start3A_32 = arith.constant 0 : i32
    %dma_start3A_33 = tpu.memref_slice %arg2[%dma_start3A_31, %dma_start3A_32] : memref<1000x128xf32, #tpu.memory_space<hbm>> -> memref<1000x128xf32, #tpu.memory_space<hbm>>
    tpu.enqueue_indirect_dma source(%dma_start3A_33 : memref<1000x128xf32, #tpu.memory_space<hbm>>) target(%arg7 : memref<16x128xf32, #tpu.memory_space<vmem>>) offsets(%dma_start3A_30 : memref<16xi32, #tpu.memory_space<vmem>>) semaphore(%arg15 : memref<!tpu.dma_semaphore, #tpu.memory_space<semaphore_mem>>)
    %dma_start3A_34 = arith.constant 16 : i32
    %dma_start3A_35 = tpu.memref_slice %arg6[%dma_start3A_34] : memref<512xi32, #tpu.memory_space<vmem>> -> memref<48xi32, #tpu.memory_space<vmem>>
    %dma_start3A_36 = arith.constant 0 : i32
    %dma_start3A_37 = arith.constant 0 : i32
    %dma_start3A_38 = tpu.memref_slice %arg2[%dma_start3A_36, %dma_start3A_37] : memref<1000x128xf32, #tpu.memory_space<hbm>> -> memref<1000x128xf32, #tpu.memory_space<hbm>>
    tpu.enqueue_indirect_dma source(%dma_start3A_38 : memref<1000x128xf32, #tpu.memory_space<hbm>>) target(%arg8 : memref<48x128xf32, #tpu.memory_space<vmem>>) offsets(%dma_start3A_35 : memref<48xi32, #tpu.memory_space<vmem>>) semaphore(%arg16 : memref<!tpu.dma_semaphore, #tpu.memory_space<semaphore_mem>>)
    %barrier3A = arith.constant 0 : index
    tpu.barrier barrier_id(%barrier3A)
    %dma_wait3A_39 = arith.constant 64 : i32
    %dma_wait3A_40 = tpu.memref_slice %arg6[%dma_wait3A_39] : memref<512xi32, #tpu.memory_space<vmem>> -> memref<448xi32, #tpu.memory_space<vmem>>
    %dma_wait3A_41 = tpu.memref_slice %arg3[%add3A_9] : memref<16384xi32, #tpu.memory_space<hbm>> -> memref<448xi32, #tpu.memory_space<hbm>>
    %dma_wait3A_42 = arith.constant 64 : i32
    %dma_wait3A_43 = tpu.memref_slice %arg6[%dma_wait3A_42] : memref<512xi32, #tpu.memory_space<vmem>> -> memref<448xi32, #tpu.memory_space<vmem>>
    %dma_wait3A_44 = tpu.memref_slice %arg3[%add3A_9] : memref<16384xi32, #tpu.memory_space<hbm>> -> memref<448xi32, #tpu.memory_space<hbm>>
    tpu.wait_dma2 semaphore(%arg32 : memref<!tpu.dma_semaphore, #tpu.memory_space<semaphore_mem>>) src(%dma_wait3A_44 : memref<448xi32, #tpu.memory_space<hbm>>) dst(%dma_wait3A_43 : memref<448xi32, #tpu.memory_space<vmem>>)
    %dma_start3A_45 = arith.constant 64 : i32
    %dma_start3A_46 = tpu.memref_slice %arg6[%dma_start3A_45] : memref<512xi32, #tpu.memory_space<vmem>> -> memref<64xi32, #tpu.memory_space<vmem>>
    %dma_start3A_47 = arith.constant 0 : i32
    %dma_start3A_48 = arith.constant 0 : i32
    %dma_start3A_49 = tpu.memref_slice %arg5[%dma_start3A_47, %dma_start3A_48] : memref<1000x128xf32, #tpu.memory_space<vmem_shared>> -> memref<1000x128xf32, #tpu.memory_space<vmem_shared>>
    tpu.enqueue_indirect_dma source(%dma_start3A_49 : memref<1000x128xf32, #tpu.memory_space<vmem_shared>>) target(%arg9 : memref<64x128xf32, #tpu.memory_space<vmem>>) offsets(%dma_start3A_46 : memref<64xi32, #tpu.memory_space<vmem>>) semaphore(%arg17 : memref<!tpu.dma_semaphore, #tpu.memory_space<semaphore_mem>>)
    %dma_start3A_50 = arith.constant 128 : i32
    %dma_start3A_51 = tpu.memref_slice %arg6[%dma_start3A_50] : memref<512xi32, #tpu.memory_space<vmem>> -> memref<64xi32, #tpu.memory_space<vmem>>
    %dma_start3A_52 = arith.constant 0 : i32
    %dma_start3A_53 = arith.constant 0 : i32
    %dma_start3A_54 = tpu.memref_slice %arg5[%dma_start3A_52, %dma_start3A_53] : memref<1000x128xf32, #tpu.memory_space<vmem_shared>> -> memref<1000x128xf32, #tpu.memory_space<vmem_shared>>
    tpu.enqueue_indirect_dma source(%dma_start3A_54 : memref<1000x128xf32, #tpu.memory_space<vmem_shared>>) target(%arg10 : memref<64x128xf32, #tpu.memory_space<vmem>>) offsets(%dma_start3A_51 : memref<64xi32, #tpu.memory_space<vmem>>) semaphore(%arg18 : memref<!tpu.dma_semaphore, #tpu.memory_space<semaphore_mem>>)
    %dma_start3A_55 = arith.constant 192 : i32
    %dma_start3A_56 = tpu.memref_slice %arg6[%dma_start3A_55] : memref<512xi32, #tpu.memory_space<vmem>> -> memref<64xi32, #tpu.memory_space<vmem>>
    %dma_start3A_57 = arith.constant 0 : i32
    %dma_start3A_58 = arith.constant 0 : i32
    %dma_start3A_59 = tpu.memref_slice %arg5[%dma_start3A_57, %dma_start3A_58] : memref<1000x128xf32, #tpu.memory_space<vmem_shared>> -> memref<1000x128xf32, #tpu.memory_space<vmem_shared>>
    tpu.enqueue_indirect_dma source(%dma_start3A_59 : memref<1000x128xf32, #tpu.memory_space<vmem_shared>>) target(%arg11 : memref<64x128xf32, #tpu.memory_space<vmem>>) offsets(%dma_start3A_56 : memref<64xi32, #tpu.memory_space<vmem>>) semaphore(%arg19 : memref<!tpu.dma_semaphore, #tpu.memory_space<semaphore_mem>>)
    %dma_start3A_60 = arith.constant 256 : i32
    %dma_start3A_61 = tpu.memref_slice %arg6[%dma_start3A_60] : memref<512xi32, #tpu.memory_space<vmem>> -> memref<64xi32, #tpu.memory_space<vmem>>
    %dma_start3A_62 = arith.constant 0 : i32
    %dma_start3A_63 = arith.constant 0 : i32
    %dma_start3A_64 = tpu.memref_slice %arg5[%dma_start3A_62, %dma_start3A_63] : memref<1000x128xf32, #tpu.memory_space<vmem_shared>> -> memref<1000x128xf32, #tpu.memory_space<vmem_shared>>
    tpu.enqueue_indirect_dma source(%dma_start3A_64 : memref<1000x128xf32, #tpu.memory_space<vmem_shared>>) target(%arg12 : memref<64x128xf32, #tpu.memory_space<vmem>>) offsets(%dma_start3A_61 : memref<64xi32, #tpu.memory_space<vmem>>) semaphore(%arg20 : memref<!tpu.dma_semaphore, #tpu.memory_space<semaphore_mem>>)
    %dma_start3A_65 = arith.constant 320 : i32
    %dma_start3A_66 = tpu.memref_slice %arg6[%dma_start3A_65] : memref<512xi32, #tpu.memory_space<vmem>> -> memref<96xi32, #tpu.memory_space<vmem>>
    %dma_start3A_67 = arith.constant 0 : i32
    %dma_start3A_68 = arith.constant 0 : i32
    %dma_start3A_69 = tpu.memref_slice %arg5[%dma_start3A_67, %dma_start3A_68] : memref<1000x128xf32, #tpu.memory_space<vmem_shared>> -> memref<1000x128xf32, #tpu.memory_space<vmem_shared>>
    tpu.enqueue_indirect_dma source(%dma_start3A_69 : memref<1000x128xf32, #tpu.memory_space<vmem_shared>>) target(%arg13 : memref<96x128xf32, #tpu.memory_space<vmem>>) offsets(%dma_start3A_66 : memref<96xi32, #tpu.memory_space<vmem>>) semaphore(%arg21 : memref<!tpu.dma_semaphore, #tpu.memory_space<semaphore_mem>>)
    %dma_start3A_70 = arith.constant 416 : i32
    %dma_start3A_71 = tpu.memref_slice %arg6[%dma_start3A_70] : memref<512xi32, #tpu.memory_space<vmem>> -> memref<96xi32, #tpu.memory_space<vmem>>
    %dma_start3A_72 = arith.constant 0 : i32
    %dma_start3A_73 = arith.constant 0 : i32
    %dma_start3A_74 = tpu.memref_slice %arg5[%dma_start3A_72, %dma_start3A_73] : memref<1000x128xf32, #tpu.memory_space<vmem_shared>> -> memref<1000x128xf32, #tpu.memory_space<vmem_shared>>
    tpu.enqueue_indirect_dma source(%dma_start3A_74 : memref<1000x128xf32, #tpu.memory_space<vmem_shared>>) target(%arg14 : memref<96x128xf32, #tpu.memory_space<vmem>>) offsets(%dma_start3A_71 : memref<96xi32, #tpu.memory_space<vmem>>) semaphore(%arg22 : memref<!tpu.dma_semaphore, #tpu.memory_space<semaphore_mem>>)
    %dma_wait3A_75 = arith.constant 0 : i32
    %dma_wait3A_76 = tpu.memref_slice %arg6[%dma_wait3A_75] : memref<512xi32, #tpu.memory_space<vmem>> -> memref<16xi32, #tpu.memory_space<vmem>>
    %dma_wait3A_77 = arith.constant 0 : i32
    %dma_wait3A_78 = arith.constant 0 : i32
    %dma_wait3A_79 = tpu.memref_slice %arg2[%dma_wait3A_77, %dma_wait3A_78] : memref<1000x128xf32, #tpu.memory_space<hbm>> -> memref<1000x128xf32, #tpu.memory_space<hbm>>
    tpu.wait_indirect_dma semaphore(%arg15 : memref<!tpu.dma_semaphore, #tpu.memory_space<semaphore_mem>>) src(%dma_wait3A_79 : memref<1000x128xf32, #tpu.memory_space<hbm>>) dst(%arg7 : memref<16x128xf32, #tpu.memory_space<vmem>>)
    %add3A_80 = arith.constant 0 : i32
    %add3A_81 = arith.addi %mul3A_2, %add3A_80 : i32
    %dma_start3A_82 = arith.constant 0 : i32
    %dma_start3A_83 = tpu.memref_slice %arg4[%add3A_81, %dma_start3A_82] : memref<16384x128xf32, #tpu.memory_space<hbm>> -> memref<16x128xf32, #tpu.memory_space<hbm>>
    %dma_start3A_84 = arith.constant 0 : i32
    %dma_start3A_85 = tpu.memref_slice %arg4[%add3A_81, %dma_start3A_84] : memref<16384x128xf32, #tpu.memory_space<hbm>> -> memref<16x128xf32, #tpu.memory_space<hbm>>
    tpu.enqueue_dma source(%arg7 : memref<16x128xf32, #tpu.memory_space<vmem>>) target(%dma_start3A_85 : memref<16x128xf32, #tpu.memory_space<hbm>>) target_semaphore(%arg23 : memref<!tpu.dma_semaphore, #tpu.memory_space<semaphore_mem>>)
    %dma_wait3A_86 = arith.constant 16 : i32
    %dma_wait3A_87 = tpu.memref_slice %arg6[%dma_wait3A_86] : memref<512xi32, #tpu.memory_space<vmem>> -> memref<48xi32, #tpu.memory_space<vmem>>
    %dma_wait3A_88 = arith.constant 0 : i32
    %dma_wait3A_89 = arith.constant 0 : i32
    %dma_wait3A_90 = tpu.memref_slice %arg2[%dma_wait3A_88, %dma_wait3A_89] : memref<1000x128xf32, #tpu.memory_space<hbm>> -> memref<1000x128xf32, #tpu.memory_space<hbm>>
    tpu.wait_indirect_dma semaphore(%arg16 : memref<!tpu.dma_semaphore, #tpu.memory_space<semaphore_mem>>) src(%dma_wait3A_90 : memref<1000x128xf32, #tpu.memory_space<hbm>>) dst(%arg8 : memref<48x128xf32, #tpu.memory_space<vmem>>)
    %add3A_91 = arith.constant 16 : i32
    %add3A_92 = arith.addi %mul3A_2, %add3A_91 : i32
    %dma_start3A_93 = arith.constant 0 : i32
    %dma_start3A_94 = tpu.memref_slice %arg4[%add3A_92, %dma_start3A_93] : memref<16384x128xf32, #tpu.memory_space<hbm>> -> memref<48x128xf32, #tpu.memory_space<hbm>>
    %dma_start3A_95 = arith.constant 0 : i32
    %dma_start3A_96 = tpu.memref_slice %arg4[%add3A_92, %dma_start3A_95] : memref<16384x128xf32, #tpu.memory_space<hbm>> -> memref<48x128xf32, #tpu.memory_space<hbm>>
    tpu.enqueue_dma source(%arg8 : memref<48x128xf32, #tpu.memory_space<vmem>>) target(%dma_start3A_96 : memref<48x128xf32, #tpu.memory_space<hbm>>) target_semaphore(%arg24 : memref<!tpu.dma_semaphore, #tpu.memory_space<semaphore_mem>>)
    %dma_wait3A_97 = arith.constant 64 : i32
    %dma_wait3A_98 = tpu.memref_slice %arg6[%dma_wait3A_97] : memref<512xi32, #tpu.memory_space<vmem>> -> memref<64xi32, #tpu.memory_space<vmem>>
    %dma_wait3A_99 = arith.constant 0 : i32
    %dma_wait3A_100 = arith.constant 0 : i32
    %dma_wait3A_101 = tpu.memref_slice %arg5[%dma_wait3A_99, %dma_wait3A_100] : memref<1000x128xf32, #tpu.memory_space<vmem_shared>> -> memref<1000x128xf32, #tpu.memory_space<vmem_shared>>
    tpu.wait_indirect_dma semaphore(%arg17 : memref<!tpu.dma_semaphore, #tpu.memory_space<semaphore_mem>>) src(%dma_wait3A_101 : memref<1000x128xf32, #tpu.memory_space<vmem_shared>>) dst(%arg9 : memref<64x128xf32, #tpu.memory_space<vmem>>)
    %add3A_102 = arith.constant 64 : i32
    %add3A_103 = arith.addi %mul3A_2, %add3A_102 : i32
    %dma_start3A_104 = arith.constant 0 : i32
    %dma_start3A_105 = tpu.memref_slice %arg4[%add3A_103, %dma_start3A_104] : memref<16384x128xf32, #tpu.memory_space<hbm>> -> memref<64x128xf32, #tpu.memory_space<hbm>>
    %dma_start3A_106 = arith.constant 0 : i32
    %dma_start3A_107 = tpu.memref_slice %arg4[%add3A_103, %dma_start3A_106] : memref<16384x128xf32, #tpu.memory_space<hbm>> -> memref<64x128xf32, #tpu.memory_space<hbm>>
    tpu.enqueue_dma source(%arg9 : memref<64x128xf32, #tpu.memory_space<vmem>>) target(%dma_start3A_107 : memref<64x128xf32, #tpu.memory_space<hbm>>) target_semaphore(%arg25 : memref<!tpu.dma_semaphore, #tpu.memory_space<semaphore_mem>>)
    %dma_wait3A_108 = arith.constant 128 : i32
    %dma_wait3A_109 = tpu.memref_slice %arg6[%dma_wait3A_108] : memref<512xi32, #tpu.memory_space<vmem>> -> memref<64xi32, #tpu.memory_space<vmem>>
    %dma_wait3A_110 = arith.constant 0 : i32
    %dma_wait3A_111 = arith.constant 0 : i32
    %dma_wait3A_112 = tpu.memref_slice %arg5[%dma_wait3A_110, %dma_wait3A_111] : memref<1000x128xf32, #tpu.memory_space<vmem_shared>> -> memref<1000x128xf32, #tpu.memory_space<vmem_shared>>
    tpu.wait_indirect_dma semaphore(%arg18 : memref<!tpu.dma_semaphore, #tpu.memory_space<semaphore_mem>>) src(%dma_wait3A_112 : memref<1000x128xf32, #tpu.memory_space<vmem_shared>>) dst(%arg10 : memref<64x128xf32, #tpu.memory_space<vmem>>)
    %add3A_113 = arith.constant 128 : i32
    %add3A_114 = arith.addi %mul3A_2, %add3A_113 : i32
    %dma_start3A_115 = arith.constant 0 : i32
    %dma_start3A_116 = tpu.memref_slice %arg4[%add3A_114, %dma_start3A_115] : memref<16384x128xf32, #tpu.memory_space<hbm>> -> memref<64x128xf32, #tpu.memory_space<hbm>>
    %dma_start3A_117 = arith.constant 0 : i32
    %dma_start3A_118 = tpu.memref_slice %arg4[%add3A_114, %dma_start3A_117] : memref<16384x128xf32, #tpu.memory_space<hbm>> -> memref<64x128xf32, #tpu.memory_space<hbm>>
    tpu.enqueue_dma source(%arg10 : memref<64x128xf32, #tpu.memory_space<vmem>>) target(%dma_start3A_118 : memref<64x128xf32, #tpu.memory_space<hbm>>) target_semaphore(%arg26 : memref<!tpu.dma_semaphore, #tpu.memory_space<semaphore_mem>>)
    %dma_wait3A_119 = arith.constant 192 : i32
    %dma_wait3A_120 = tpu.memref_slice %arg6[%dma_wait3A_119] : memref<512xi32, #tpu.memory_space<vmem>> -> memref<64xi32, #tpu.memory_space<vmem>>
    %dma_wait3A_121 = arith.constant 0 : i32
    %dma_wait3A_122 = arith.constant 0 : i32
    %dma_wait3A_123 = tpu.memref_slice %arg5[%dma_wait3A_121, %dma_wait3A_122] : memref<1000x128xf32, #tpu.memory_space<vmem_shared>> -> memref<1000x128xf32, #tpu.memory_space<vmem_shared>>
    tpu.wait_indirect_dma semaphore(%arg19 : memref<!tpu.dma_semaphore, #tpu.memory_space<semaphore_mem>>) src(%dma_wait3A_123 : memref<1000x128xf32, #tpu.memory_space<vmem_shared>>) dst(%arg11 : memref<64x128xf32, #tpu.memory_space<vmem>>)
    %add3A_124 = arith.constant 192 : i32
    %add3A_125 = arith.addi %mul3A_2, %add3A_124 : i32
    %dma_start3A_126 = arith.constant 0 : i32
    %dma_start3A_127 = tpu.memref_slice %arg4[%add3A_125, %dma_start3A_126] : memref<16384x128xf32, #tpu.memory_space<hbm>> -> memref<64x128xf32, #tpu.memory_space<hbm>>
    %dma_start3A_128 = arith.constant 0 : i32
    %dma_start3A_129 = tpu.memref_slice %arg4[%add3A_125, %dma_start3A_128] : memref<16384x128xf32, #tpu.memory_space<hbm>> -> memref<64x128xf32, #tpu.memory_space<hbm>>
    tpu.enqueue_dma source(%arg11 : memref<64x128xf32, #tpu.memory_space<vmem>>) target(%dma_start3A_129 : memref<64x128xf32, #tpu.memory_space<hbm>>) target_semaphore(%arg27 : memref<!tpu.dma_semaphore, #tpu.memory_space<semaphore_mem>>)
    %dma_wait3A_130 = arith.constant 256 : i32
    %dma_wait3A_131 = tpu.memref_slice %arg6[%dma_wait3A_130] : memref<512xi32, #tpu.memory_space<vmem>> -> memref<64xi32, #tpu.memory_space<vmem>>
    %dma_wait3A_132 = arith.constant 0 : i32
    %dma_wait3A_133 = arith.constant 0 : i32
    %dma_wait3A_134 = tpu.memref_slice %arg5[%dma_wait3A_132, %dma_wait3A_133] : memref<1000x128xf32, #tpu.memory_space<vmem_shared>> -> memref<1000x128xf32, #tpu.memory_space<vmem_shared>>
    tpu.wait_indirect_dma semaphore(%arg20 : memref<!tpu.dma_semaphore, #tpu.memory_space<semaphore_mem>>) src(%dma_wait3A_134 : memref<1000x128xf32, #tpu.memory_space<vmem_shared>>) dst(%arg12 : memref<64x128xf32, #tpu.memory_space<vmem>>)
    %add3A_135 = arith.constant 256 : i32
    %add3A_136 = arith.addi %mul3A_2, %add3A_135 : i32
    %dma_start3A_137 = arith.constant 0 : i32
    %dma_start3A_138 = tpu.memref_slice %arg4[%add3A_136, %dma_start3A_137] : memref<16384x128xf32, #tpu.memory_space<hbm>> -> memref<64x128xf32, #tpu.memory_space<hbm>>
    %dma_start3A_139 = arith.constant 0 : i32
    %dma_start3A_140 = tpu.memref_slice %arg4[%add3A_136, %dma_start3A_139] : memref<16384x128xf32, #tpu.memory_space<hbm>> -> memref<64x128xf32, #tpu.memory_space<hbm>>
    tpu.enqueue_dma source(%arg12 : memref<64x128xf32, #tpu.memory_space<vmem>>) target(%dma_start3A_140 : memref<64x128xf32, #tpu.memory_space<hbm>>) target_semaphore(%arg28 : memref<!tpu.dma_semaphore, #tpu.memory_space<semaphore_mem>>)
    %dma_wait3A_141 = arith.constant 320 : i32
    %dma_wait3A_142 = tpu.memref_slice %arg6[%dma_wait3A_141] : memref<512xi32, #tpu.memory_space<vmem>> -> memref<96xi32, #tpu.memory_space<vmem>>
    %dma_wait3A_143 = arith.constant 0 : i32
    %dma_wait3A_144 = arith.constant 0 : i32
    %dma_wait3A_145 = tpu.memref_slice %arg5[%dma_wait3A_143, %dma_wait3A_144] : memref<1000x128xf32, #tpu.memory_space<vmem_shared>> -> memref<1000x128xf32, #tpu.memory_space<vmem_shared>>
    tpu.wait_indirect_dma semaphore(%arg21 : memref<!tpu.dma_semaphore, #tpu.memory_space<semaphore_mem>>) src(%dma_wait3A_145 : memref<1000x128xf32, #tpu.memory_space<vmem_shared>>) dst(%arg13 : memref<96x128xf32, #tpu.memory_space<vmem>>)
    %add3A_146 = arith.constant 320 : i32
    %add3A_147 = arith.addi %mul3A_2, %add3A_146 : i32
    %dma_start3A_148 = arith.constant 0 : i32
    %dma_start3A_149 = tpu.memref_slice %arg4[%add3A_147, %dma_start3A_148] : memref<16384x128xf32, #tpu.memory_space<hbm>> -> memref<96x128xf32, #tpu.memory_space<hbm>>
    %dma_start3A_150 = arith.constant 0 : i32
    %dma_start3A_151 = tpu.memref_slice %arg4[%add3A_147, %dma_start3A_150] : memref<16384x128xf32, #tpu.memory_space<hbm>> -> memref<96x128xf32, #tpu.memory_space<hbm>>
    tpu.enqueue_dma source(%arg13 : memref<96x128xf32, #tpu.memory_space<vmem>>) target(%dma_start3A_151 : memref<96x128xf32, #tpu.memory_space<hbm>>) target_semaphore(%arg29 : memref<!tpu.dma_semaphore, #tpu.memory_space<semaphore_mem>>)
    %dma_wait3A_152 = arith.constant 416 : i32
    %dma_wait3A_153 = tpu.memref_slice %arg6[%dma_wait3A_152] : memref<512xi32, #tpu.memory_space<vmem>> -> memref<96xi32, #tpu.memory_space<vmem>>
    %dma_wait3A_154 = arith.constant 0 : i32
    %dma_wait3A_155 = arith.constant 0 : i32
    %dma_wait3A_156 = tpu.memref_slice %arg5[%dma_wait3A_154, %dma_wait3A_155] : memref<1000x128xf32, #tpu.memory_space<vmem_shared>> -> memref<1000x128xf32, #tpu.memory_space<vmem_shared>>
    tpu.wait_indirect_dma semaphore(%arg22 : memref<!tpu.dma_semaphore, #tpu.memory_space<semaphore_mem>>) src(%dma_wait3A_156 : memref<1000x128xf32, #tpu.memory_space<vmem_shared>>) dst(%arg14 : memref<96x128xf32, #tpu.memory_space<vmem>>)
    %add3A_157 = arith.constant 416 : i32
    %add3A_158 = arith.addi %mul3A_2, %add3A_157 : i32
    %dma_start3A_159 = arith.constant 0 : i32
    %dma_start3A_160 = tpu.memref_slice %arg4[%add3A_158, %dma_start3A_159] : memref<16384x128xf32, #tpu.memory_space<hbm>> -> memref<96x128xf32, #tpu.memory_space<hbm>>
    %dma_start3A_161 = arith.constant 0 : i32
    %dma_start3A_162 = tpu.memref_slice %arg4[%add3A_158, %dma_start3A_161] : memref<16384x128xf32, #tpu.memory_space<hbm>> -> memref<96x128xf32, #tpu.memory_space<hbm>>
    tpu.enqueue_dma source(%arg14 : memref<96x128xf32, #tpu.memory_space<vmem>>) target(%dma_start3A_162 : memref<96x128xf32, #tpu.memory_space<hbm>>) target_semaphore(%arg30 : memref<!tpu.dma_semaphore, #tpu.memory_space<semaphore_mem>>)
    %dma_wait3A_163 = arith.constant 0 : i32
    %dma_wait3A_164 = tpu.memref_slice %arg4[%add3A_81, %dma_wait3A_163] : memref<16384x128xf32, #tpu.memory_space<hbm>> -> memref<16x128xf32, #tpu.memory_space<hbm>>
    %dma_wait3A_165 = arith.constant 0 : i32
    %dma_wait3A_166 = tpu.memref_slice %arg4[%add3A_81, %dma_wait3A_165] : memref<16384x128xf32, #tpu.memory_space<hbm>> -> memref<16x128xf32, #tpu.memory_space<hbm>>
    tpu.wait_dma2 semaphore(%arg23 : memref<!tpu.dma_semaphore, #tpu.memory_space<semaphore_mem>>) src(%arg7 : memref<16x128xf32, #tpu.memory_space<vmem>>) dst(%dma_wait3A_166 : memref<16x128xf32, #tpu.memory_space<hbm>>)
    %dma_wait3A_167 = arith.constant 0 : i32
    %dma_wait3A_168 = tpu.memref_slice %arg4[%add3A_92, %dma_wait3A_167] : memref<16384x128xf32, #tpu.memory_space<hbm>> -> memref<48x128xf32, #tpu.memory_space<hbm>>
    %dma_wait3A_169 = arith.constant 0 : i32
    %dma_wait3A_170 = tpu.memref_slice %arg4[%add3A_92, %dma_wait3A_169] : memref<16384x128xf32, #tpu.memory_space<hbm>> -> memref<48x128xf32, #tpu.memory_space<hbm>>
    tpu.wait_dma2 semaphore(%arg24 : memref<!tpu.dma_semaphore, #tpu.memory_space<semaphore_mem>>) src(%arg8 : memref<48x128xf32, #tpu.memory_space<vmem>>) dst(%dma_wait3A_170 : memref<48x128xf32, #tpu.memory_space<hbm>>)
    %dma_wait3A_171 = arith.constant 0 : i32
    %dma_wait3A_172 = tpu.memref_slice %arg4[%add3A_103, %dma_wait3A_171] : memref<16384x128xf32, #tpu.memory_space<hbm>> -> memref<64x128xf32, #tpu.memory_space<hbm>>
    %dma_wait3A_173 = arith.constant 0 : i32
    %dma_wait3A_174 = tpu.memref_slice %arg4[%add3A_103, %dma_wait3A_173] : memref<16384x128xf32, #tpu.memory_space<hbm>> -> memref<64x128xf32, #tpu.memory_space<hbm>>
    tpu.wait_dma2 semaphore(%arg25 : memref<!tpu.dma_semaphore, #tpu.memory_space<semaphore_mem>>) src(%arg9 : memref<64x128xf32, #tpu.memory_space<vmem>>) dst(%dma_wait3A_174 : memref<64x128xf32, #tpu.memory_space<hbm>>)
    %dma_wait3A_175 = arith.constant 0 : i32
    %dma_wait3A_176 = tpu.memref_slice %arg4[%add3A_114, %dma_wait3A_175] : memref<16384x128xf32, #tpu.memory_space<hbm>> -> memref<64x128xf32, #tpu.memory_space<hbm>>
    %dma_wait3A_177 = arith.constant 0 : i32
    %dma_wait3A_178 = tpu.memref_slice %arg4[%add3A_114, %dma_wait3A_177] : memref<16384x128xf32, #tpu.memory_space<hbm>> -> memref<64x128xf32, #tpu.memory_space<hbm>>
    tpu.wait_dma2 semaphore(%arg26 : memref<!tpu.dma_semaphore, #tpu.memory_space<semaphore_mem>>) src(%arg10 : memref<64x128xf32, #tpu.memory_space<vmem>>) dst(%dma_wait3A_178 : memref<64x128xf32, #tpu.memory_space<hbm>>)
    %dma_wait3A_179 = arith.constant 0 : i32
    %dma_wait3A_180 = tpu.memref_slice %arg4[%add3A_125, %dma_wait3A_179] : memref<16384x128xf32, #tpu.memory_space<hbm>> -> memref<64x128xf32, #tpu.memory_space<hbm>>
    %dma_wait3A_181 = arith.constant 0 : i32
    %dma_wait3A_182 = tpu.memref_slice %arg4[%add3A_125, %dma_wait3A_181] : memref<16384x128xf32, #tpu.memory_space<hbm>> -> memref<64x128xf32, #tpu.memory_space<hbm>>
    tpu.wait_dma2 semaphore(%arg27 : memref<!tpu.dma_semaphore, #tpu.memory_space<semaphore_mem>>) src(%arg11 : memref<64x128xf32, #tpu.memory_space<vmem>>) dst(%dma_wait3A_182 : memref<64x128xf32, #tpu.memory_space<hbm>>)
    %dma_wait3A_183 = arith.constant 0 : i32
    %dma_wait3A_184 = tpu.memref_slice %arg4[%add3A_136, %dma_wait3A_183] : memref<16384x128xf32, #tpu.memory_space<hbm>> -> memref<64x128xf32, #tpu.memory_space<hbm>>
    %dma_wait3A_185 = arith.constant 0 : i32
    %dma_wait3A_186 = tpu.memref_slice %arg4[%add3A_136, %dma_wait3A_185] : memref<16384x128xf32, #tpu.memory_space<hbm>> -> memref<64x128xf32, #tpu.memory_space<hbm>>
    tpu.wait_dma2 semaphore(%arg28 : memref<!tpu.dma_semaphore, #tpu.memory_space<semaphore_mem>>) src(%arg12 : memref<64x128xf32, #tpu.memory_space<vmem>>) dst(%dma_wait3A_186 : memref<64x128xf32, #tpu.memory_space<hbm>>)
    %dma_wait3A_187 = arith.constant 0 : i32
    %dma_wait3A_188 = tpu.memref_slice %arg4[%add3A_147, %dma_wait3A_187] : memref<16384x128xf32, #tpu.memory_space<hbm>> -> memref<96x128xf32, #tpu.memory_space<hbm>>
    %dma_wait3A_189 = arith.constant 0 : i32
    %dma_wait3A_190 = tpu.memref_slice %arg4[%add3A_147, %dma_wait3A_189] : memref<16384x128xf32, #tpu.memory_space<hbm>> -> memref<96x128xf32, #tpu.memory_space<hbm>>
    tpu.wait_dma2 semaphore(%arg29 : memref<!tpu.dma_semaphore, #tpu.memory_space<semaphore_mem>>) src(%arg13 : memref<96x128xf32, #tpu.memory_space<vmem>>) dst(%dma_wait3A_190 : memref<96x128xf32, #tpu.memory_space<hbm>>)
    %dma_wait3A_191 = arith.constant 0 : i32
    %dma_wait3A_192 = tpu.memref_slice %arg4[%add3A_158, %dma_wait3A_191] : memref<16384x128xf32, #tpu.memory_space<hbm>> -> memref<96x128xf32, #tpu.memory_space<hbm>>
    %dma_wait3A_193 = arith.constant 0 : i32
    %dma_wait3A_194 = tpu.memref_slice %arg4[%add3A_158, %dma_wait3A_193] : memref<16384x128xf32, #tpu.memory_space<hbm>> -> memref<96x128xf32, #tpu.memory_space<hbm>>
    tpu.wait_dma2 semaphore(%arg30 : memref<!tpu.dma_semaphore, #tpu.memory_space<semaphore_mem>>) src(%arg14 : memref<96x128xf32, #tpu.memory_space<vmem>>) dst(%dma_wait3A_194 : memref<96x128xf32, #tpu.memory_space<hbm>>)
    return
  }
}

</mosaic_0001>

<sc_bundles>
// kernel: kernel.3.cloned.1.call-start
scs
__scs_entry_jumppad:
0x0: {  	(pc) =	sbr.rel $0x88, $3  }
0x1: {  	(tag) =	ssettag $0x0;
	lr =	simm.s32 $0x1  }
0x2: {  	[smem:$0x3F9F] =	sst lr;
	_ =	strace $0xD0000000  }
0x3: {  	_ = 	snop  }
0x4: {  	_ = 	snop  }
0x5: {  	_ = 	snop  }
0x6: {  	_ = 	snop  }
0x7: {  	_ = 	snop  }
__scs_overlays_trampoline_lowered:
0x8: {  	[smem:$0x3FAE] =	sst s0  }
0x9: {  	[smem:$0x3FAF] =	sst s1  }
0xa: {  	[smem:$0x3FB0] =	sst s2  }
0xb: {  	[smem:$0x3FB1] =	sst s3  }
0xc: {  	[smem:$0x3FB2] =	sst s4  }
0xd: {  	[smem:$0x3FB3] =	sst s5  }
0xe: {  	[smem:$0x3FB4] =	sst s6  }
0xf: {  	[smem:$0x3FB5] =	sst s7  }
0x10: {  	[smem:$0x3FB6] =	sst s8  }
0x11: {  	[smem:$0x3FB7] =	sst s9;
	s0 =	simm.s32 @!p0 $0x0  }
0x12: {  	s1 =	sld [smem:$0x3F9D];
	s0 =	simm.s32 @p0 $0x1  }
0x13: {  	[smem:$0x3FB8] =	sst s0;
	s0 =	simm.s32 @!p1 $0x0  }
0x14: {  	s2 =	sld [smem:$0x3F9C];
	s0 =	simm.s32 @p1 $0x1  }
0x15: {  	[smem:$0x3FB9] =	sst s0;
	s0 =	simm.s32 @!p2 $0x0  }
0x16: {  	s3 =	sld [smem:$0x3FDB];
	s0 =	simm.s32 @p2 $0x1  }
0x17: {  	s4 =	simm.s32 $0x1BF5;
	[smem:$0x3FBB] =	sst s0  }
0x18: {  	s0 =	sld [smem:$0x3F9E];
	_ =	swait.ge [sflag:s4], $0x0  }
0x19: {  	s7 =	sld [smem:$0x3F9F]  }
0x1a: {  	s8 =	sadd.s32 $0xFFFFE003, lr  }
0x1b: {  	s9 =	sadd.s32 $0xFFFFFEF7, lr;
	s5 =	simm.s32 $0xFFFFFFFF;
	p2 =	slt.u32 s8, $0xFFFFF086  }
0x1c: {  	p1 =	slt.u32 s9, $0xF7A;
	s5 =	simm.s32 @!p2 $0x0  }
0x1d: {  	s5 =	simm.s32 @p1 $0x1;
	p0 =	seq.s32 s7, s2  }
0x1e: {  	s7 =	smul.u32 @!p0 $0xF7A, s2;
	p2 =	seq.s32 @!p0 s5, $0x0  }
0x1f: {  	s9 =	smul.u32 $0xF7A, s1;
	s8 =	simm.s32 @!p0 $0x1BF5;
	p2 =	por !p2, p0  }
0x20: {  	[sflag:s8] =	ssyncset.s32 @!p0 $0xFFFFF086;
	s6 =	sadd.s32 @!p0 s3, s7;
	s7 =	simm.s32 @!p0 $0x108  }
0x21: {  	s3 =	sadd.s32 s3, s9;
	s6 =	sadd.s32 @!p0 $0x88, s6;
	s7 =	simm.s32 @p2 $0x1082  }
0x22: {  	[simem:s7], [sflag:s8] =	dma.local @!p0 [hbm:s6], $0xF7A  }
0x23: {  	s9 =	sor.u32 $0xD0000000, s2;
	s6 =	simm.s32 $0x108;
	_ =	swait.ge @!p0 [sflag:s8], $0x0  }
0x24: {  	s3 =	sadd.s32 $0x88, s3;
	s6 =	simm.s32 @!p1 $0x1082;
	[sflag:s4] =	ssyncset.s32 $0xFFFFF086  }
0x25: {  	[simem:s6], [sflag:s4] =	dma.local [hbm:s3], $0xF7A  }
0x26: {  	[smem:$0x3F9F] =	sst s1;
	(tag) =	ssettag s2;
	_ =	strace s9  }
0x27: {  	s1 =	sld [smem:$0x3FAF]  }
0x28: {  	s2 =	sld [smem:$0x3FB0]  }
0x29: {  	s4 =	sld [smem:$0x3FB2]  }
0x2a: {  	p0 =	seq.s32 s5, $0x0;
	s5 =	sld [smem:$0x3FB3]  }
0x2b: {  	s6 =	sld [smem:$0x3FB4]  }
0x2c: {  	s7 =	sld [smem:$0x3FB5]  }
0x2d: {  	s3 =	simm.s32 $0x108;
	s8 =	sld [smem:$0x3FB6]  }
0x2e: {  	s3 =	simm.s32 @!p0 $0x1082;
	s9 =	sld [smem:$0x3FB7]  }
0x2f: {  	lr =	sadd.s32 s0, s3;
	s0 =	sld [smem:$0x3FAE]  }
0x30: {  	s3 =	sld [smem:$0x3FB1]  }
0x31: {  	[smem:$0x3FBA] =	sst s10  }
0x32: {  	s10 =	sld [smem:$0x3FB8];
	_ =	sdelay $0x3  }
0x33: {  	p0 =	seq.s32 s10, $0x1;
	s10 =	sld [smem:$0x3FBA];
	_ =	sdelay $0x3  }
0x34: {  	[smem:$0x3FBA] =	sst s10  }
0x35: {  	s10 =	sld [smem:$0x3FB9];
	_ =	sdelay $0x3  }
0x36: {  	p1 =	seq.s32 s10, $0x1;
	s10 =	sld [smem:$0x3FBA];
	_ =	sdelay $0x3  }
0x37: {  	[smem:$0x3FBA] =	sst s10  }
0x38: {  	s10 =	sld [smem:$0x3FBB]  }
0x39: {  	_ = 	snop;
	(pc) =	sbr.ind lr, $3  }
0x3a: {  	_ = 	snop  }
0x3b: {  	_ = 	snop  }
0x3c: {  	p2 =	seq.s32 s10, $0x1;
	s10 =	sld [smem:$0x3FBA]  }
0x3d: {  	_ =	shalt  }
0x3e: {  	_ =	shalt  }
0x3f: {  	_ =	shalt  }
0x40: {  	_ =	shalt  }
0x41: {  	_ =	shalt  }
0x42: {  	_ =	shalt  }
0x43: {  	_ =	shalt  }
0x44: {  	_ =	shalt  }
0x45: {  	_ =	shalt  }
0x46: {  	_ =	shalt  }
0x47: {  	_ =	shalt  }
0x48: {  	_ =	shalt  }
0x49: {  	_ =	shalt  }
0x4a: {  	_ =	shalt  }
0x4b: {  	_ =	shalt  }
0x4c: {  	_ =	shalt  }
0x4d: {  	_ =	shalt  }
0x4e: {  	_ =	shalt  }
0x4f: {  	_ =	shalt  }
0x50: {  	_ =	shalt  }
0x51: {  	_ =	shalt  }
0x52: {  	_ =	shalt  }
0x53: {  	_ =	shalt  }
0x54: {  	_ =	shalt  }
0x55: {  	_ =	shalt  }
0x56: {  	_ =	shalt  }
0x57: {  	_ =	shalt  }
0x58: {  	_ =	shalt  }
0x59: {  	_ =	shalt  }
0x5a: {  	_ =	shalt  }
0x5b: {  	_ =	shalt  }
0x5c: {  	_ =	shalt  }
0x5d: {  	_ =	shalt  }
0x5e: {  	_ =	shalt  }
0x5f: {  	_ =	shalt  }
0x60: {  	_ =	shalt  }
0x61: {  	_ =	shalt  }
0x62: {  	_ =	shalt  }
0x63: {  	_ =	shalt  }
0x64: {  	_ =	shalt  }
0x65: {  	_ =	shalt  }
0x66: {  	_ =	shalt  }
0x67: {  	_ =	shalt  }
0x68: {  	_ =	shalt  }
0x69: {  	_ =	shalt  }
0x6a: {  	_ =	shalt  }
0x6b: {  	_ =	shalt  }
0x6c: {  	_ =	shalt  }
0x6d: {  	_ =	shalt  }
0x6e: {  	_ =	shalt  }
0x6f: {  	_ =	shalt  }
0x70: {  	_ =	shalt  }
0x71: {  	_ =	shalt  }
0x72: {  	_ =	shalt  }
0x73: {  	_ =	shalt  }
0x74: {  	_ =	shalt  }
0x75: {  	_ =	shalt  }
0x76: {  	_ =	shalt  }
0x77: {  	_ =	shalt  }
0x78: {  	_ =	shalt  }
0x79: {  	_ =	shalt  }
0x7a: {  	_ =	shalt  }
0x7b: {  	_ =	shalt  }
0x7c: {  	_ =	shalt  }
0x7d: {  	_ =	shalt  }
0x7e: {  	_ =	shalt  }
0x7f: {  	_ =	shalt  }
0x80: {  	_ =	shalt  }
0x81: {  	_ =	shalt  }
0x82: {  	_ =	shalt  }
0x83: {  	_ =	shalt  }
0x84: {  	_ =	shalt  }
0x85: {  	_ =	shalt  }
0x86: {  	_ =	shalt  }
0x87: {  	_ =	shalt  }
.Lfunc_end0:
.L_simem_size_0:
called_computation_lowered:
.L_overlay_start_0:
0x88: {  	s2 =	sld [smem:$0x3FD9]  }
0x89: {  	s3 =	sld [smem:$0x3FFE];
	_ =	sdelay $0x1  }
0x8a: {  	s1 =	srdreg.scid  }
0x8b: {  	s0 =	sand.u32 $0x1, s1  }
0x8c: {  	s18 =	sshll.u32 s0, $0xA;
	s2 =	sadd.s32 s3, s2  }
0x8d: {  	s2 =	sadd.s32 s2, s18  }
0x8e: {  	[smem:$0x3FC6] =	sst s2  }
0x8f: {  	_ = 	snop  }
0x90: {  	s2 =	sld [smem:$0x3FC9]  }
0x91: {  	s19 =	sld [smem:$0x3FC8]  }
0x92: {  	s4 =	sld [smem:$0x3FD0];
	(tm) =	ssettm $0x1  }
0x93: {  	s5 =	sld [smem:$0x3FFB];
	_ =	sdelay $0x3  }
0x94: {  	_ =	strace s5  }
0x95: {  	s5 =	sld [smem:$0x3FFC];
	_ =	sdelay $0x3  }
0x96: {  	_ =	strace s5  }
0x97: {  	s5 =	sld [smem:$0x3FFD];
	_ =	sdelay $0x3  }
0x98: {  	_ =	strace s5  }
0x99: {  	_ =	strace $0x8FFFFFFF  }
0x9a: {  	s20 =	sld [smem:$0x3FDB];
	_ =	sdelay $0x1  }
0x9b: {  	s6 =	simm.s32 $_scs_section_size  }
0x9c: {  	s7 =	simm.s32 $_size__tile_overlayer_lowered;
	s8 =	simm.s32 $_tile_overlayer_lowered  }
0x9d: {  	s23 =	simm.s32 $0x1BFF;
	s22 =	sshll.u32 s8, $0x1;
	s5 =	sadd.s32 s6, s20  }
0x9e: {  	s9 =	simm.s32 $0x0;
	s21 =	sshll.u32 s7, $0x1;
	s7 =	sadd.s32 s22, s5  }
0x9f: {  	[timem:s9], [sflag:s23] =	dma.local [hbm:s7], s21  }
0xa0: {  	_ =	swait.ge [sflag:s23], s21  }
0xa1: {  	s6 =	ssub.s32 $0x0, s21;
	[sflag:s23] =	ssyncset.done $0x0  }
0xa2: {  	[sflag:s23] =	ssyncadd.s32 s6;
	_ =	sdelay $0x1  }
0xa3: {  	s24 =	simm.s32 $0x1B8B  }
0xa4: {  	_ =	swait.ge [sflag:s24], $0x1  }
0xa5: {  	[sflag:s24] =	ssyncset.done $0x0  }
0xa6: {  	s25 =	simm.s32 $0x1B8E;
	[sflag:s24] =	ssyncadd.s32 $0xFFFFFFFF  }
0xa7: {  	s26 =	simm.s32 $execute0_lowered;
	[smem:$0x3FD2] =	sst s25  }
0xa8: {  	s6 =	sshll.u32 s26, $0x1;
	_ =	strace $0x80000046;
	[dreg:$0x1] =	wrdreg $0xFFFFFFFF  }
0xa9: {  	s28 =	simm.s32 $_size_execute0_lowered;
	s5 =	sadd.s32 s5, s6;
	[dreg:$0x0] =	wrdreg $0x0  }
0xaa: {  	s6 =	sshll.u32 s28, $0x1;
	[dreg:$0x2] =	wrdreg s5  }
0xab: {  	[dreg:$0x3] =	wrdreg s6  }
0xac: {  	[dreg:$0x4] =	wrdreg $0xC0  }
0xad: {  	_ =	task [dreg:s9], $0x5FFFF  }
0xae: {  	[dreg:$0x1] =	wrdreg $0xFFFFFFFF  }
0xaf: {  	[dreg:$0x0] =	wrdreg $0x60  }
0xb0: {  	[dreg:$0x2] =	wrdreg s19  }
0xb1: {  	[dreg:$0x3] =	wrdreg s2  }
0xb2: {  	[dreg:$0x4] =	wrdreg s4  }
0xb3: {  	[dreg:$0x5] =	wrdreg $0x0  }
0xb4: {  	[dreg:$0x6] =	wrdreg $0x9  }
0xb5: {  	_ =	task.clear_ibuf [dreg:s9], $0x7FFFF;
	_ =	strace $0x90000046  }
0xb6: {  	s29 =	simm.s32 $0x9;
	_ =	strace $0x80000048  }
0xb7: {  	_ =	swait.ge [sflag:s29], $0x1  }
0xb8: {  	[sflag:s29] =	ssyncadd.s32 $0xFFFFFFFF  }
0xb9: {  	_ =	strace $0x90000048  }
0xba: {  	_ =	sfence  }
0xbb: {  	s30 =	sld [smem:$0x0];
	_ =	sdelay $0x2  }
0xbc: {  	s31 =	sshll.u32 s1, $0xD;
	s1 =	sshrl.u32 s1, $0x2  }
0xbd: {  	s3 =	sand.u32 $0x4000, s31;
	s1 =	sadd.s32 s1, s30  }
0xbe: {  	s0 =	sor.u32 s3, s0;
	s1 =	sshll.u32 s1, $0x11  }
0xbf: {  	s0 =	sor.u32 s1, s0  }
0xc0: {  	s0 =	sadd.s32 $0x8F2B, s0  }
0xc1: {  	[sflag:s0] =	ssyncadd.remote.s32 $0x1  }
0xc2: {  	_ =	sfence.sel $0xFFFF  }
0xc3: {  	[dreg:$0x0] =	wrdreg $0xFFFFFFFF;
	(pc) =	sbr.abs _section_cstart, $3  }
0xc4: {  	[dreg:$0x1] =	wrdreg $0xFFFFFFFF  }
0xc5: {  	_ =	task.clear_ibuf [dreg:s9], $0x2FFFF;
	_ =	strace $0x9FFFFFFF  }
0xc6: {  	(tm) =	ssettm $0x7FFFFFFF  }
0xc7: {  	_ =	shalt  }
tec
execute0_lowered:
.L_overlay_start_1:
0x0: {  	(tag) =	ssettag $0x1  }
0x1: {  	s13 =	rddreg [dreg:$0x0]  }
0x2: {  	s0 =	rddreg [dreg:$0x1]  }
0x3: {  	s2 =	rddreg [dreg:$0x2]  }
0x4: {  	s3 =	rddreg [dreg:$0x3];
	s4 =	simm.s32 $0x0  }
0x5: {  	[smem:$0x7FF] =	sst s4;
	s26 =	sadd.s32 $0x3C00, s13  }
0x6: {  	s17 =	simm.s32 $0x30;
	_ =	strace $0x80000047;
	[dreg:$0x8] =	wrdreg s26  }
0x7: {  	s1 =	srdreg.scid;
	s18 =	simm.s32 $0x1F50;
	[dreg:$0x13] =	wrdreg s17  }
0x8: {  	s10 =	stileid.u32;
	s19 =	simm.s32 $0x1FC0;
	[dreg:$0x14] =	wrdreg s18  }
0x9: {  	s20 =	simm.s32 $0x2000;
	s21 =	simm.s32 $0x2040;
	[dreg:$0x15] =	wrdreg s19  }
0xa: {  	s22 =	simm.s32 $0x2080;
	s7 =	sand.u32 $0x1, s1;
	[dreg:$0x16] =	wrdreg s20  }
0xb: {  	s23 =	sshll.u32 s10, $0xA;
	s5 =	sshll.u32 s7, $0x9;
	[dreg:$0x17] =	wrdreg s21  }
0xc: {  	s24 =	sadd.s32 s13, s23;
	[dreg:$0x18] =	wrdreg s22;
	s5 =	sor.u32 s5, s23  }
0xd: {  	[dreg:$0x7] =	wrdreg s24;
	s6 =	sshrl.u32 s5, $0x3;
	s8 =	sor.u32 $0x40, s5  }
0xe: {  	s25 =	sshll.u32 s5, $0x4;
	s6 =	sadd.s32 s0, s6;
	s9 =	sshrl.u32 s8, $0x3  }
0xf: {  	s14 =	sadd.s32 s2, s25;
	s25 =	simm.s32 $0x20E0;
	[dreg:$0x5] =	wrdreg s6  }
0x10: {  	s0 =	sadd.s32 s0, s9;
	[dreg:$0x19] =	wrdreg s25  }
0x11: {  	s5 =	sshll.u32 s8, $0x4;
	s1 =	sadd.s32 $0x100, s14;
	[dreg:$0x6] =	wrdreg s0  }
0x12: {  	s6 =	sadd.s32 s2, s5;
	[dreg:$0x9] =	wrdreg s1  }
0x13: {  	s8 =	sadd.s32 $0x800, s14;
	[dreg:$0xa] =	wrdreg s6  }
0x14: {  	s9 =	sadd.s32 $0xC00, s14;
	[dreg:$0xb] =	wrdreg s8  }
0x15: {  	s12 =	sadd.s32 $0x1000, s14;
	[dreg:$0xc] =	wrdreg s9  }
0x16: {  	s15 =	sadd.s32 $0x1400, s14;
	[dreg:$0xd] =	wrdreg s12  }
0x17: {  	s16 =	sadd.s32 $0x1A00, s14;
	[dreg:$0xe] =	wrdreg s15  }
0x18: {  	p0 =	seq.s32 s10, $0xF;
	s2 =	sadd.s32 $0x1E000, s3;
	[dreg:$0xf] =	wrdreg s16  }
0x19: {  	s0 =	sshrl.u32 @p0 s2, $0x3;
	s23 =	rddreg [dreg:$0x5]  }
0x1a: {  	s2 =	sshll.u32 @!p0 s10, $0x6;
	[dreg:$0x12] =	wrdreg s0  }
0x1b: {  	s11 =	sshll.u32 s10, $0xD;
	s0 =	sor.u32 @!p0 $0x1C13, s2;
	s2 =	rddreg [dreg:$0x8]  }
0x1c: {  	s24 =	simm.s32 $0x1F40;
	s1 =	sadd.s32 s11, s3;
	s26 =	rddreg [dreg:$0x6]  }
0x1d: {  	[tilespmem:s24], [sflag:$0x11] =	stream.linear.gather [hbm4b:s23+s4], $0x40, $0x38;
	[tilespmem:$0x12140] =	vst v63  }
0x1e: {  	[dreg:$0x10] =	wrdreg s0;
	s0 =	sshrl.u32 @!p0 s1, $0x3  }
0x1f: {  	s17 =	simm.s32 $0x1F80;
	[dreg:$0x11] =	wrdreg s0  }
0x20: {  	s5 =	simm.s32 @p0 $0x13;
	s1 =	simm.s32 @p0 $0x1FD3;
	s0 =	rddreg [dreg:$0x12]  }
0x21: {  	[tilespmem:s17], [sflag:$0x12] =	stream.linear.gather [hbm4b:s26+s4], $0x1C0, $0x38;
	[tilespmem:$0x12140] =	vst v63  }
0x22: {  	[spmem:s0], [sflag:s1] =	dma.local @p0 [hbm:s2], $0x280  }
0x23: {  	_ =	swait.ge @p0 [sflag:s5], $0x280  }
0x24: {  	s0 =	rddreg [dreg:$0x11]  }
0x25: {  	s1 =	rddreg [dreg:$0x7];
	[sflag:s5] =	ssyncset.done @p0 $0x0  }
0x26: {  	s2 =	rddreg [dreg:$0x10];
	[sflag:s5] =	ssyncadd.s32 @p0 $0xFFFFFD80;
	s5 =	simm.s32 @!p0 $0x13  }
0x27: {  	[spmem:s0], [sflag:s2] =	dma.local @!p0 [hbm:s1], $0x400  }
0x28: {  	_ =	swait.ge @!p0 [sflag:s5], $0x400  }
0x29: {  	[sflag:s5] =	ssyncset.done @!p0 $0x0  }
0x2a: {  	s0 =	simm.s32 $0x11;
	[sflag:s5] =	ssyncadd.s32 @!p0 $0xFFFFFC00  }
0x2b: {  	_ =	swait.ge [sflag:s0], $0x40  }
0x2c: {  	s11 =	simm.s32 $0x10;
	[sflag:s0] =	ssyncset.done $0x0  }
0x2d: {  	s5 =	simm.s32 $0x2140;
	s2 =	rddreg [dreg:$0x14];
	[sflag:s0] =	ssyncadd.s32 $0xFFFFFFC0  }
0x2e: {  	[tilespmem:s5], [sflag:$0x1] =	stream.indirect.gather [hbm4b:s13+s11], $0x80, s24, s11, $0xb8;
	[tilespmem:$0x12140] =	vst v63  }
0x2f: {  	s9 =	simm.s32 $0x2940;
	s6 =	rddreg [dreg:$0x13]  }
0x30: {  	[tilespmem:s9], [sflag:$0x2] =	stream.indirect.gather [hbm4b:s13+s6], $0x80, s2, s6, $0xb8;
	[tilespmem:$0x12140] =	vst v63  }
0x31: {  	s12 =	simm.s32 $0x12;
	[bflag:$0x0] =	sbarrier.arrive $0xFFFF  }
0x32: {  	_ =	swait.ge [sflag:s12], $0x1C0  }
0x33: {  	[sflag:s12] =	ssyncset.done $0x0  }
0x34: {  	s16 =	simm.s32 $0x40;
	s13 =	simm.s32 $0x4140;
	[sflag:s12] =	ssyncadd.s32 $0xFFFFFE40  }
0x35: {  	[tilespmem:s13], [sflag:$0x3] =	stream.indirect.gather [spmem:s3], $0x80, s17, s16, $0xb8;
	[tilespmem:$0x12140] =	vst v63  }
0x36: {  	s19 =	simm.s32 $0x6140;
	s18 =	rddreg [dreg:$0x15]  }
0x37: {  	[tilespmem:s19], [sflag:$0x4] =	stream.indirect.gather [spmem:s3], $0x80, s18, s16, $0xb8;
	[tilespmem:$0x12140] =	vst v63  }
0x38: {  	s21 =	simm.s32 $0x8140;
	s20 =	rddreg [dreg:$0x16]  }
0x39: {  	[tilespmem:s21], [sflag:$0x5] =	stream.indirect.gather [spmem:s3], $0x80, s20, s16, $0xb8;
	[tilespmem:$0x12140] =	vst v63  }
0x3a: {  	s23 =	simm.s32 $0xA140;
	s22 =	rddreg [dreg:$0x17]  }
0x3b: {  	[tilespmem:s23], [sflag:$0x6] =	stream.indirect.gather [spmem:s3], $0x80, s22, s16, $0xb8;
	[tilespmem:$0x12140] =	vst v63  }
0x3c: {  	s25 =	simm.s32 $0x60;
	s24 =	rddreg [dreg:$0x18];
	s12 =	simm.s32 $0xC140  }
0x3d: {  	[tilespmem:s12], [sflag:$0x7] =	stream.indirect.gather [spmem:s3], $0x80, s24, s25, $0xb8;
	[tilespmem:$0x12140] =	vst v63  }
0x3e: {  	s15 =	simm.s32 $0xF140;
	s26 =	rddreg [dreg:$0x19];
	s24 =	simm.s32 $0x1  }
0x3f: {  	[tilespmem:s15], [sflag:$0x8] =	stream.indirect.gather [spmem:s3], $0x80, s26, s25, $0xb8;
	[tilespmem:$0x12140] =	vst v63  }
0x40: {  	_ =	swait.ge [sflag:s24], $0x800  }
0x41: {  	[sflag:s24] =	ssyncset.done $0x0  }
0x42: {  	s25 =	simm.s32 $0x2;
	[dreg:$0x1a] =	wrdreg s14;
	[sflag:s24] =	ssyncadd.s32 $0xFFFFF800  }
0x43: {  	[hbm4b:s14+s4] =	stream.linear.scatter [tilespmem:s5], [sflag:$0x9], $0x800, $0x38;
	[tilespmem:$0x12140] =	vst v63  }
0x44: {  	_ =	swait.ge [sflag:s25], $0x1800  }
0x45: {  	[sflag:s25] =	ssyncset.done $0x0  }
0x46: {  	s26 =	simm.s32 $0x3;
	s10 =	rddreg [dreg:$0x9];
	[sflag:s25] =	ssyncadd.s32 $0xFFFFE800  }
0x47: {  	[hbm4b:s10+s4] =	stream.linear.scatter [tilespmem:s9], [sflag:$0xA], $0x1800, $0x38;
	[tilespmem:$0x12140] =	vst v63  }
0x48: {  	_ =	swait.ge [sflag:s26], $0x2000  }
0x49: {  	[sflag:s26] =	ssyncset.done $0x0  }
0x4a: {  	s28 =	simm.s32 $0x4;
	s14 =	rddreg [dreg:$0xa];
	[sflag:s26] =	ssyncadd.s32 $0xFFFFE000  }
0x4b: {  	[hbm4b:s14+s4] =	stream.linear.scatter [tilespmem:s13], [sflag:$0xB], $0x2000, $0x38;
	[tilespmem:$0x12140] =	vst v63  }
0x4c: {  	_ =	swait.ge [sflag:s28], $0x2000  }
0x4d: {  	[sflag:s28] =	ssyncset.done $0x0  }
0x4e: {  	s29 =	simm.s32 $0x5;
	s17 =	rddreg [dreg:$0xb];
	[sflag:s28] =	ssyncadd.s32 $0xFFFFE000  }
0x4f: {  	[hbm4b:s17+s4] =	stream.linear.scatter [tilespmem:s19], [sflag:$0xC], $0x2000, $0x38;
	[tilespmem:$0x12140] =	vst v63  }
0x50: {  	_ =	swait.ge [sflag:s29], $0x2000  }
0x51: {  	[sflag:s29] =	ssyncset.done $0x0  }
0x52: {  	s30 =	simm.s32 $0x6;
	s18 =	rddreg [dreg:$0xc];
	[sflag:s29] =	ssyncadd.s32 $0xFFFFE000  }
0x53: {  	[hbm4b:s18+s4] =	stream.linear.scatter [tilespmem:s21], [sflag:$0xD], $0x2000, $0x38;
	[tilespmem:$0x12140] =	vst v63  }
0x54: {  	_ =	swait.ge [sflag:s30], $0x2000  }
0x55: {  	[sflag:s30] =	ssyncset.done $0x0  }
0x56: {  	s31 =	simm.s32 $0x7;
	s19 =	rddreg [dreg:$0xd];
	[sflag:s30] =	ssyncadd.s32 $0xFFFFE000  }
0x57: {  	[hbm4b:s19+s4] =	stream.linear.scatter [tilespmem:s23], [sflag:$0xE], $0x2000, $0x38;
	[tilespmem:$0x12140] =	vst v63  }
0x58: {  	_ =	swait.ge [sflag:s31], $0x3000  }
0x59: {  	[sflag:s31] =	ssyncset.done $0x0  }
0x5a: {  	s1 =	simm.s32 $0x8;
	s20 =	rddreg [dreg:$0xe];
	[sflag:s31] =	ssyncadd.s32 $0xFFFFD000  }
0x5b: {  	[hbm4b:s20+s4] =	stream.linear.scatter [tilespmem:s12], [sflag:$0xF], $0x3000, $0x38;
	[tilespmem:$0x12140] =	vst v63  }
0x5c: {  	_ =	swait.ge [sflag:s1], $0x3000  }
0x5d: {  	[sflag:s1] =	ssyncset.done $0x0  }
0x5e: {  	s0 =	simm.s32 $0x9;
	s21 =	rddreg [dreg:$0xf];
	[sflag:s1] =	ssyncadd.s32 $0xFFFFD000  }
0x5f: {  	[hbm4b:s21+s4] =	stream.linear.scatter [tilespmem:s15], [sflag:$0x10], $0x3000, $0x38;
	[tilespmem:$0x12140] =	vst v63  }
0x60: {  	_ =	swait.ge [sflag:s0], $0x800  }
0x61: {  	[sflag:s0] =	ssyncset.done $0x0  }
0x62: {  	s8 =	simm.s32 $0xA;
	[sflag:s0] =	ssyncadd.s32 $0xFFFFF800  }
0x63: {  	_ =	swait.ge [sflag:s8], $0x1800  }
0x64: {  	[sflag:s8] =	ssyncset.done $0x0  }
0x65: {  	s2 =	simm.s32 $0xB;
	[sflag:s8] =	ssyncadd.s32 $0xFFFFE800  }
0x66: {  	_ =	swait.ge [sflag:s2], $0x2000  }
0x67: {  	[sflag:s2] =	ssyncset.done $0x0  }
0x68: {  	s5 =	simm.s32 $0xC;
	[sflag:s2] =	ssyncadd.s32 $0xFFFFE000  }
0x69: {  	_ =	swait.ge [sflag:s5], $0x2000  }
0x6a: {  	s22 =	ssub.s32 $0x2, s7;
	[sflag:s5] =	ssyncset.done $0x0  }
0x6b: {  	s6 =	simm.s32 $0xD;
	s23 =	sshrl.u32 s22, $0x1;
	[sflag:s5] =	ssyncadd.s32 $0xFFFFE000  }
0x6c: {  	s13 =	ssub.s32 s22, s23;
	_ =	swait.ge [sflag:s6], $0x2000  }
0x6d: {  	s14 =	smax.u32 s13, $0x1;
	[sflag:s6] =	ssyncset.done $0x0  }
0x6e: {  	s7 =	simm.s32 $0xE;
	s14 =	sadd.s32 $0xFFFFFFFF, s14;
	[sflag:s6] =	ssyncadd.s32 $0xFFFFE000  }
0x6f: {  	p1 =	sne.s32 s14, $0x0;
	_ =	swait.ge [sflag:s7], $0x2000  }
.Ltmp0:
0x70: {  	[sflag:s7] =	ssyncset.done $0x0;
	(pc) =	sbr.rel @!p1 .LBB2_3-.Ltmp0, $4  }
0x71: {  	s13 =	simm.s32 $0xF;
	[sflag:s7] =	ssyncadd.s32 $0xFFFFE000  }
0x72: {  	_ =	swait.ge [sflag:s13], $0x3000  }
0x73: {  	[sflag:s13] =	ssyncset.done $0x0  }
0x74: {  	[sflag:s13] =	ssyncadd.s32 $0xFFFFD000  }
0x75: {  	s21 =	simm.s32 $0x4140  }
0x76: {  	s10 =	simm.s32 $0xA140;
	s12 =	simm.s32 $0xC140;
	s15 =	simm.s32 $0xF140  }
.LBB2_2:
0x77: {  	_ =	swait.ge [sflag:s11], $0x3000  }
0x78: {  	s17 =	rddreg [dreg:$0x12]  }
0x79: {  	s22 =	simm.s32 $0x1F40;
	[sflag:s11] =	ssyncset.done $0x0;
	s18 =	rddreg [dreg:$0x5]  }
0x7a: {  	s23 =	simm.s32 $0x1F80;
	s19 =	rddreg [dreg:$0x8];
	[sflag:s11] =	ssyncadd.s32 $0xFFFFD000  }
0x7b: {  	[tilespmem:s22], [sflag:$0x11] =	stream.linear.gather [hbm4b:s18+s4], $0x40, $0x38;
	[tilespmem:$0x12140] =	vst v63  }
0x7c: {  	s9 =	simm.s32 @p0 $0x13;
	s20 =	rddreg [dreg:$0x6];
	s18 =	simm.s32 @p0 $0x1FD3  }
0x7d: {  	[tilespmem:s23], [sflag:$0x12] =	stream.linear.gather [hbm4b:s20+s4], $0x1C0, $0x38;
	[tilespmem:$0x12140] =	vst v63  }
0x7e: {  	[spmem:s17], [sflag:s18] =	dma.local @p0 [hbm:s19], $0x280  }
0x7f: {  	_ =	swait.ge @p0 [sflag:s9], $0x280  }
0x80: {  	s17 =	rddreg [dreg:$0x11]  }
0x81: {  	[sflag:s9] =	ssyncset.done @p0 $0x0;
	s18 =	rddreg [dreg:$0x7]  }
0x82: {  	s19 =	rddreg [dreg:$0x10];
	[sflag:s9] =	ssyncadd.s32 @p0 $0xFFFFFD80;
	s9 =	simm.s32 @!p0 $0x13  }
0x83: {  	[spmem:s17], [sflag:s19] =	dma.local @!p0 [hbm:s18], $0x400  }
0x84: {  	_ =	swait.ge @!p0 [sflag:s9], $0x400  }
0x85: {  	[sflag:s9] =	ssyncset.done @!p0 $0x0  }
0x86: {  	s17 =	simm.s32 $0x11;
	[sflag:s9] =	ssyncadd.s32 @!p0 $0xFFFFFC00  }
0x87: {  	_ =	swait.ge [sflag:s17], $0x40  }
0x88: {  	[sflag:s17] =	ssyncset.done $0x0  }
0x89: {  	s18 =	rddreg [dreg:$0x14];
	[sflag:s17] =	ssyncadd.s32 $0xFFFFFFC0  }
0x8a: {  	s20 =	simm.s32 $0x2140;
	s9 =	rddreg [dreg:$0x0]  }
0x8b: {  	[tilespmem:s20], [sflag:$0x1] =	stream.indirect.gather [hbm4b:s9+s11], $0x80, s22, s11, $0xb8;
	[tilespmem:$0x12140] =	vst v63  }
0x8c: {  	s19 =	rddreg [dreg:$0x13];
	s22 =	simm.s32 $0x2940  }
0x8d: {  	[tilespmem:s22], [sflag:$0x2] =	stream.indirect.gather [hbm4b:s9+s19], $0x80, s18, s19, $0xb8;
	[tilespmem:$0x12140] =	vst v63  }
0x8e: {  	s18 =	simm.s32 $0x12;
	[bflag:$0x0] =	sbarrier.arrive $0xFFFF  }
0x8f: {  	_ =	swait.ge [sflag:s18], $0x1C0  }
0x90: {  	[sflag:s18] =	ssyncset.done $0x0  }
0x91: {  	[sflag:s18] =	ssyncadd.s32 $0xFFFFFE40  }
0x92: {  	[tilespmem:s21], [sflag:$0x3] =	stream.indirect.gather [spmem:s3], $0x80, s23, s16, $0xb8;
	[tilespmem:$0x12140] =	vst v63  }
0x93: {  	s17 =	rddreg [dreg:$0x15];
	s23 =	simm.s32 $0x6140  }
0x94: {  	[tilespmem:s23], [sflag:$0x4] =	stream.indirect.gather [spmem:s3], $0x80, s17, s16, $0xb8;
	[tilespmem:$0x12140] =	vst v63  }
0x95: {  	s9 =	simm.s32 $0x8140;
	s18 =	rddreg [dreg:$0x16]  }
0x96: {  	[tilespmem:s9], [sflag:$0x5] =	stream.indirect.gather [spmem:s3], $0x80, s18, s16, $0xb8;
	[tilespmem:$0x12140] =	vst v63  }
0x97: {  	s19 =	rddreg [dreg:$0x17]  }
0x98: {  	[tilespmem:s10], [sflag:$0x6] =	stream.indirect.gather [spmem:s3], $0x80, s19, s16, $0xb8;
	[tilespmem:$0x12140] =	vst v63  }
0x99: {  	s17 =	rddreg [dreg:$0x18];
	s19 =	simm.s32 $0x60  }
0x9a: {  	[tilespmem:s12], [sflag:$0x7] =	stream.indirect.gather [spmem:s3], $0x80, s17, s19, $0xb8;
	[tilespmem:$0x12140] =	vst v63  }
0x9b: {  	s18 =	rddreg [dreg:$0x19]  }
0x9c: {  	[tilespmem:s15], [sflag:$0x8] =	stream.indirect.gather [spmem:s3], $0x80, s18, s19, $0xb8;
	[tilespmem:$0x12140] =	vst v63  }
0x9d: {  	_ =	swait.ge [sflag:s24], $0x800  }
0x9e: {  	[sflag:s24] =	ssyncset.done $0x0  }
0x9f: {  	s19 =	rddreg [dreg:$0x1a];
	[sflag:s24] =	ssyncadd.s32 $0xFFFFF800  }
0xa0: {  	[hbm4b:s19+s4] =	stream.linear.scatter [tilespmem:s20], [sflag:$0x9], $0x800, $0x38;
	[tilespmem:$0x12140] =	vst v63  }
0xa1: {  	_ =	swait.ge [sflag:s25], $0x1800  }
0xa2: {  	[sflag:s25] =	ssyncset.done $0x0  }
0xa3: {  	s20 =	rddreg [dreg:$0x9];
	[sflag:s25] =	ssyncadd.s32 $0xFFFFE800  }
0xa4: {  	[hbm4b:s20+s4] =	stream.linear.scatter [tilespmem:s22], [sflag:$0xA], $0x1800, $0x38;
	[tilespmem:$0x12140] =	vst v63  }
0xa5: {  	_ =	swait.ge [sflag:s26], $0x2000  }
0xa6: {  	[sflag:s26] =	ssyncset.done $0x0  }
0xa7: {  	s22 =	rddreg [dreg:$0xa];
	[sflag:s26] =	ssyncadd.s32 $0xFFFFE000  }
0xa8: {  	[hbm4b:s22+s4] =	stream.linear.scatter [tilespmem:s21], [sflag:$0xB], $0x2000, $0x38;
	[tilespmem:$0x12140] =	vst v63  }
0xa9: {  	_ =	swait.ge [sflag:s28], $0x2000  }
0xaa: {  	[sflag:s28] =	ssyncset.done $0x0  }
0xab: {  	s18 =	rddreg [dreg:$0xb];
	[sflag:s28] =	ssyncadd.s32 $0xFFFFE000  }
0xac: {  	[hbm4b:s18+s4] =	stream.linear.scatter [tilespmem:s23], [sflag:$0xC], $0x2000, $0x38;
	[tilespmem:$0x12140] =	vst v63  }
0xad: {  	_ =	swait.ge [sflag:s29], $0x2000  }
0xae: {  	[sflag:s29] =	ssyncset.done $0x0  }
0xaf: {  	s19 =	rddreg [dreg:$0xc];
	[sflag:s29] =	ssyncadd.s32 $0xFFFFE000  }
0xb0: {  	[hbm4b:s19+s4] =	stream.linear.scatter [tilespmem:s9], [sflag:$0xD], $0x2000, $0x38;
	[tilespmem:$0x12140] =	vst v63  }
0xb1: {  	_ =	swait.ge [sflag:s30], $0x2000  }
0xb2: {  	[sflag:s30] =	ssyncset.done $0x0  }
0xb3: {  	s20 =	rddreg [dreg:$0xd];
	[sflag:s30] =	ssyncadd.s32 $0xFFFFE000  }
0xb4: {  	[hbm4b:s20+s4] =	stream.linear.scatter [tilespmem:s10], [sflag:$0xE], $0x2000, $0x38;
	[tilespmem:$0x12140] =	vst v63  }
0xb5: {  	_ =	swait.ge [sflag:s31], $0x3000  }
0xb6: {  	[sflag:s31] =	ssyncset.done $0x0  }
0xb7: {  	s22 =	rddreg [dreg:$0xe];
	[sflag:s31] =	ssyncadd.s32 $0xFFFFD000  }
0xb8: {  	[hbm4b:s22+s4] =	stream.linear.scatter [tilespmem:s12], [sflag:$0xF], $0x3000, $0x38;
	[tilespmem:$0x12140] =	vst v63  }
0xb9: {  	_ =	swait.ge [sflag:s1], $0x3000  }
0xba: {  	[sflag:s1] =	ssyncset.done $0x0  }
0xbb: {  	s23 =	rddreg [dreg:$0xf];
	[sflag:s1] =	ssyncadd.s32 $0xFFFFD000  }
0xbc: {  	[hbm4b:s23+s4] =	stream.linear.scatter [tilespmem:s15], [sflag:$0x10], $0x3000, $0x38;
	[tilespmem:$0x12140] =	vst v63  }
0xbd: {  	_ =	swait.ge [sflag:s0], $0x800  }
0xbe: {  	[sflag:s0] =	ssyncset.done $0x0  }
0xbf: {  	[sflag:s0] =	ssyncadd.s32 $0xFFFFF800  }
0xc0: {  	_ =	swait.ge [sflag:s8], $0x1800  }
0xc1: {  	[sflag:s8] =	ssyncset.done $0x0  }
0xc2: {  	[sflag:s8] =	ssyncadd.s32 $0xFFFFE800  }
0xc3: {  	_ =	swait.ge [sflag:s2], $0x2000  }
0xc4: {  	[sflag:s2] =	ssyncset.done $0x0  }
0xc5: {  	[sflag:s2] =	ssyncadd.s32 $0xFFFFE000  }
0xc6: {  	_ =	swait.ge [sflag:s5], $0x2000  }
0xc7: {  	[sflag:s5] =	ssyncset.done $0x0  }
0xc8: {  	[sflag:s5] =	ssyncadd.s32 $0xFFFFE000  }
0xc9: {  	_ =	swait.ge [sflag:s6], $0x2000  }
0xca: {  	[sflag:s6] =	ssyncset.done $0x0  }
0xcb: {  	s14 =	sadd.s32 $0xFFFFFFFF, s14;
	[sflag:s6] =	ssyncadd.s32 $0xFFFFE000  }
0xcc: {  	p1 =	sne.s32 s14, $0x0;
	_ =	swait.ge [sflag:s7], $0x2000  }
.Ltmp1:
0xcd: {  	[sflag:s7] =	ssyncset.done $0x0;
	(pc) =	sbr.rel @p1 .LBB2_2-.Ltmp1, $4  }
0xce: {  	[sflag:s7] =	ssyncadd.s32 $0xFFFFE000  }
0xcf: {  	_ =	swait.ge [sflag:s13], $0x3000  }
0xd0: {  	[sflag:s13] =	ssyncset.done $0x0  }
0xd1: {  	[sflag:s13] =	ssyncadd.s32 $0xFFFFD000  }
.LBB2_3:
0xd2: {  	_ =	swait.ge [sflag:s11], $0x3000  }
0xd3: {  	[sflag:s11] =	ssyncset.done $0x0  }
0xd4: {  	[sflag:s11] =	ssyncadd.s32 $0xFFFFD000  }
0xd5: {  	_ =	sfence.sel $0x180000  }
0xd6: {  	[bflag:$0x0] =	sbarrier.arrive $0xFFFF  }
0xd7: {  	_ =	strace $0x90000047  }
0xd8: {  	s0 =	stileid.u32;
	[bflag:$0x2] =	sbarrier.arrive $0xFFFF  }
0xd9: {  	p0 =	sne.s32 s0, $0x0;
	s0 =	rddreg [dreg:$0x4]  }
0xda: {  	s0 =	sadd.s32 @!p0 $0x100000, s0  }
0xdb: {  	[sflag:s0] =	ssyncadd.tile.s32 @!p0 $0x1;
	_ =	shalt  }
.Lfunc_end2:
_tile_overlayer_lowered:
.L_overlay_start_2:
0xdc: {  	(tag) =	ssettag $0x2  }
0xdd: {  	s0 =	rddreg [dreg:$0x0];
	s2 =	stileid.u32  }
0xde: {  	s1 =	rddreg [dreg:$0x1];
	p0 =	sne.s32 s2, $0x0  }
0xdf: {  	s3 =	rddreg [dreg:$0x2];
	[bflag:$0x3] =	sbarrier.arrive $0xFFFF;
	s2 =	simm.s32 @!p0 $0x1C14  }
0xe0: {  	[timem:s3], [sflag:s2] =	dma.local @!p0 [hbm:s0], s1  }
0xe1: {  	s0 =	simm.s32 @!p0 $0x14  }
0xe2: {  	_ =	swait.ge @!p0 [sflag:s0], s1  }
0xe3: {  	s1 =	ssub.s32 @!p0 $0x0, s1;
	[sflag:s0] =	ssyncset.done @!p0 $0x0  }
0xe4: {  	[sflag:s0] =	ssyncadd.s32 @!p0 s1  }
0xe5: {  	[bflag:$0x3] =	sbarrier.arrive $0xFFFF  }
0xe6: {  	_ =	shalt  }

</sc_bundles>
